<compile_context>
chip_gen: v7x
topology: tpu7x:2x2x1
jax: 0.10.2.dev20260603
libtpu: 0.0.44.dev20260713+nightly
codegen_flags: <defaults>
</compile_context>

<pallas_src>
import functools

import jax
import jax.numpy as jnp
from jax import lax
from jax.experimental import pallas as pl
from jax.experimental.pallas import tpu as pltpu
from jax.experimental.pallas import tpu_sc as plsc

NC = 2
NS = 16
NW = NC * NS
L = 16
B = 16384
D = 64
BPW = B // NW
NCHUNK = 4
CHUNK = BPW // NCHUNK

IDX_BOUND = 100000
RBLK = 16384
NBLK = 7
RPAD = RBLK * NBLK


def _tc_matvec_body(ctab_ref, ptab_ref, w_ref, b_ref, cdot_ref, pdot_ref):
    wc = w_ref[0:D, :]
    wp = w_ref[D:2 * D, :]
    cdot_ref[...] = jnp.sum(ctab_ref[...] * wc, axis=0) + b_ref[0]
    pdot_ref[...] = jnp.sum(ptab_ref[...] * wp, axis=0)


_tc_matvec = pl.pallas_call(
    _tc_matvec_body,
    grid=(NBLK,),
    in_specs=[
        pl.BlockSpec((D, RBLK), lambda i: (0, i)),
        pl.BlockSpec((D, RBLK), lambda i: (0, i)),
        pl.BlockSpec((2 * D, 1), lambda i: (0, 0)),
        pl.BlockSpec(memory_space=pltpu.SMEM),
    ],
    out_specs=[
        pl.BlockSpec((RBLK,), lambda i: (i,)),
        pl.BlockSpec((RBLK,), lambda i: (i,)),
    ],
    out_shape=[
        jax.ShapeDtypeStruct((RPAD,), jnp.float32),
        jax.ShapeDtypeStruct((RPAD,), jnp.float32),
    ],
)


def _build_sc_gather():
    mesh = plsc.VectorSubcoreMesh(core_axis_name="c", subcore_axis_name="s")

    @functools.partial(
        pl.kernel,
        mesh=mesh,
        out_type=jax.ShapeDtypeStruct((B,), jnp.float32),
        compiler_params=pltpu.CompilerParams(needs_layout_passes=False),
        scratch_types=[
            pltpu.VMEM((NCHUNK, CHUNK), jnp.int32),
            pltpu.VMEM((NCHUNK, CHUNK), jnp.int32),
            pltpu.VMEM((BPW,), jnp.float32),
            pltpu.VMEM((BPW,), jnp.float32),
            pltpu.SemaphoreType.DMA,
        ],
    )
    def k(cdot, pdot, cidx, pidx, out, cidx_v, pidx_v, cvals_v, pvals_v, sem):
        wid = lax.axis_index("s") * NC + lax.axis_index("c")
        base4 = wid * NCHUNK
        pltpu.sync_copy(cidx.at[pl.ds(base4, NCHUNK)], cidx_v)
        pltpu.sync_copy(pidx.at[pl.ds(base4, NCHUNK)], pidx_v)

        descs = []
        for j in range(NCHUNK):
            descs.append(pltpu.async_copy(
                cdot.at[cidx_v.at[j]], cvals_v.at[pl.ds(j * CHUNK, CHUNK)], sem))
            descs.append(pltpu.async_copy(
                pdot.at[pidx_v.at[j]], pvals_v.at[pl.ds(j * CHUNK, CHUNK)], sem))
        for dsc in descs:
            dsc.wait()

        def addloop(i, carry):
            sl = pl.ds(i * L, L)
            cvals_v[sl] = cvals_v[sl] + pvals_v[sl]
            return carry

        lax.fori_loop(0, BPW // L, addloop, 0)
        pltpu.sync_copy(cvals_v, out.at[pl.ds(wid * BPW, BPW)])

    return k


_sc_gather = _build_sc_gather()


@jax.jit
def kernel(x, customer_table, product_table, W, b):
    cidx = x[:, 0].reshape(NW * NCHUNK, CHUNK)
    pidx = x[:, 1].reshape(NW * NCHUNK, CHUNK)
    cdot, pdot = _tc_matvec(customer_table.T, product_table.T, W.reshape(2 * D, 1), b)
    out = _sc_gather(cdot, pdot, cidx, pidx)
    return out.reshape(B, 1)

# --- scband reference (transcript-rebuilt; emitter-appended) ---
"""Pipeline reference for scband-recommendation-model-34497177321725 (READ-ONLY COPY).

The authoritative reference and input builder live on the scoring server;
editing this copy changes nothing except your own understanding.
"""

import jax, jax.numpy as jnp
import numpy as np

NUM_CUSTOMERS = 1000000
NUM_PRODUCTS = 100000
EMBED_DIM = 64
BATCH = 16384

def setup_inputs(seed: int = 0) -> dict:
    key = jax.random.key(seed)
    k1, k2, k3, k4 = jax.random.split(key, 4)
    # indices: both columns must be < min(num_customers, num_products) -> use num_products bound
    x = jax.random.randint(k1, (BATCH, 2), 0, NUM_PRODUCTS, dtype=jnp.int32)
    customer_table = jax.random.normal(k2, (NUM_CUSTOMERS, EMBED_DIM), dtype=jnp.float32) * 0.02
    product_table = jax.random.normal(k3, (NUM_PRODUCTS, EMBED_DIM), dtype=jnp.float32) * 0.02
    kw, kb = jax.random.split(k4)
    # torch nn.Linear(embed_dim*2, 1): W shape [1, 128], b shape [1]
    bound = 1.0 / np.sqrt(EMBED_DIM * 2)
    W = jax.random.uniform(kw, (1, EMBED_DIM * 2), dtype=jnp.float32, minval=-bound, maxval=bound)
    b = jax.random.uniform(kb, (1,), dtype=jnp.float32, minval=-bound, maxval=bound)
    return {"x": x, "customer_table": customer_table, "product_table": product_table, "W": W, "b": b}

def reference(x, customer_table, product_table, W, b):
    customer_embeds = jnp.take(customer_table, x[:, 0], axis=0)
    product_embeds = jnp.take(product_table, x[:, 1], axis=0)
    h = jnp.concatenate([customer_embeds, product_embeds], axis=1)
    out = h @ W.T + b
    return out

if __name__ == "__main__":
    import jax
    _d = setup_inputs()
    print(jax.jit(kernel)(*tuple(_d.values())))

</pallas_src>

<mosaic_0001>
#map = affine_map<(d0, d1) -> (0)>
#map1 = affine_map<(d0, d1) -> (0, 0)>
module attributes {stable_mosaic.version = 14 : i64} {
  func.func @k(%arg0: i32, %arg1: i32, %arg2: memref<114688xf32, #tpu.memory_space<hbm>>, %arg3: memref<114688xf32, #tpu.memory_space<hbm>>, %arg4: memref<128x128xi32, #tpu.memory_space<hbm>>, %arg5: memref<128x128xi32, #tpu.memory_space<hbm>>, %arg6: memref<16384xf32, #tpu.memory_space<hbm>>, %arg7: memref<4x128xi32, #tpu.memory_space<vmem>>, %arg8: memref<4x128xi32, #tpu.memory_space<vmem>>, %arg9: memref<512xf32, #tpu.memory_space<vmem>>, %arg10: memref<512xf32, #tpu.memory_space<vmem>>, %arg11: memref<!tpu.dma_semaphore, #tpu.memory_space<semaphore_mem>>) attributes {dimension_semantics = [#tpu.dimension_semantics<core_parallel>, #tpu.dimension_semantics<subcore_parallel>], iteration_bounds = array<i64: 2, 16>, scalar_prefetch = 0 : i64, scratch_operands = 5 : i64, tpu.core_type = #tpu.core_type<sc_vector_subcore>, window_params = [{transform_indices = #map}, {transform_indices = #map}, {transform_indices = #map1}, {transform_indices = #map1}, {transform_indices = #map}]} {
    %mul3A = arith.constant 2 : i32
    %mul3A_0 = arith.muli %arg1, %mul3A : i32
    %add3A = arith.addi %mul3A_0, %arg0 : i32
    %mul3A_1 = arith.constant 4 : i32
    %mul3A_2 = arith.muli %add3A, %mul3A_1 : i32
    "tpu.region"() ({
      %run_scoped3A = tpu.sem_alloc : memref<!tpu.dma_semaphore, #tpu.memory_space<semaphore_mem>>
      %dma_start3A_136 = arith.constant 0 : i32
      %dma_start3A_137 = tpu.memref_slice %arg4[%mul3A_2, %dma_start3A_136] : memref<128x128xi32, #tpu.memory_space<hbm>> -> memref<4x128xi32, #tpu.memory_space<hbm>>
      %dma_start3A_138 = arith.constant 0 : i32
      %dma_start3A_139 = tpu.memref_slice %arg4[%mul3A_2, %dma_start3A_138] : memref<128x128xi32, #tpu.memory_space<hbm>> -> memref<4x128xi32, #tpu.memory_space<hbm>>
      tpu.enqueue_dma source(%dma_start3A_139 : memref<4x128xi32, #tpu.memory_space<hbm>>) target(%arg7 : memref<4x128xi32, #tpu.memory_space<vmem>>) target_semaphore(%run_scoped3A : memref<!tpu.dma_semaphore, #tpu.memory_space<semaphore_mem>>)
      %dma_wait3A_140 = arith.constant 0 : i32
      %dma_wait3A_141 = tpu.memref_slice %arg4[%mul3A_2, %dma_wait3A_140] : memref<128x128xi32, #tpu.memory_space<hbm>> -> memref<4x128xi32, #tpu.memory_space<hbm>>
      %dma_wait3A_142 = arith.constant 0 : i32
      %dma_wait3A_143 = tpu.memref_slice %arg4[%mul3A_2, %dma_wait3A_142] : memref<128x128xi32, #tpu.memory_space<hbm>> -> memref<4x128xi32, #tpu.memory_space<hbm>>
      tpu.wait_dma2 semaphore(%run_scoped3A : memref<!tpu.dma_semaphore, #tpu.memory_space<semaphore_mem>>) src(%dma_wait3A_143 : memref<4x128xi32, #tpu.memory_space<hbm>>) dst(%arg7 : memref<4x128xi32, #tpu.memory_space<vmem>>)
      tpu.yield
    }) : () -> ()
    "tpu.region"() ({
      %run_scoped3A = tpu.sem_alloc : memref<!tpu.dma_semaphore, #tpu.memory_space<semaphore_mem>>
      %dma_start3A_136 = arith.constant 0 : i32
      %dma_start3A_137 = tpu.memref_slice %arg5[%mul3A_2, %dma_start3A_136] : memref<128x128xi32, #tpu.memory_space<hbm>> -> memref<4x128xi32, #tpu.memory_space<hbm>>
      %dma_start3A_138 = arith.constant 0 : i32
      %dma_start3A_139 = tpu.memref_slice %arg5[%mul3A_2, %dma_start3A_138] : memref<128x128xi32, #tpu.memory_space<hbm>> -> memref<4x128xi32, #tpu.memory_space<hbm>>
      tpu.enqueue_dma source(%dma_start3A_139 : memref<4x128xi32, #tpu.memory_space<hbm>>) target(%arg8 : memref<4x128xi32, #tpu.memory_space<vmem>>) target_semaphore(%run_scoped3A : memref<!tpu.dma_semaphore, #tpu.memory_space<semaphore_mem>>)
      %dma_wait3A_140 = arith.constant 0 : i32
      %dma_wait3A_141 = tpu.memref_slice %arg5[%mul3A_2, %dma_wait3A_140] : memref<128x128xi32, #tpu.memory_space<hbm>> -> memref<4x128xi32, #tpu.memory_space<hbm>>
      %dma_wait3A_142 = arith.constant 0 : i32
      %dma_wait3A_143 = tpu.memref_slice %arg5[%mul3A_2, %dma_wait3A_142] : memref<128x128xi32, #tpu.memory_space<hbm>> -> memref<4x128xi32, #tpu.memory_space<hbm>>
      tpu.wait_dma2 semaphore(%run_scoped3A : memref<!tpu.dma_semaphore, #tpu.memory_space<semaphore_mem>>) src(%dma_wait3A_143 : memref<4x128xi32, #tpu.memory_space<hbm>>) dst(%arg8 : memref<4x128xi32, #tpu.memory_space<vmem>>)
      tpu.yield
    }) : () -> ()
    %dma_start3A = arith.constant 0 : i32
    %dma_start3A_3 = arith.constant 0 : i32
    %dma_start3A_4 = tpu.memref_slice %arg9[%dma_start3A_3] : memref<512xf32, #tpu.memory_space<vmem>> -> memref<128xf32, #tpu.memory_space<vmem>>
    %dma_start3A_5 = arith.constant 0 : i32
    %dma_start3A_6 = tpu.memref_slice %arg7[%dma_start3A, %dma_start3A_5] : memref<4x128xi32, #tpu.memory_space<vmem>> -> memref<1x128xi32, #tpu.memory_space<vmem>>
    %dma_start3A_7 = tpu.memref_squeeze %dma_start3A_6 : memref<1x128xi32, #tpu.memory_space<vmem>> -> memref<128xi32, #tpu.memory_space<vmem>>
    %dma_start3A_8 = arith.constant 0 : i32
    %dma_start3A_9 = tpu.memref_slice %arg2[%dma_start3A_8] : memref<114688xf32, #tpu.memory_space<hbm>> -> memref<114688xf32, #tpu.memory_space<hbm>>
    tpu.enqueue_indirect_dma source(%dma_start3A_9 : memref<114688xf32, #tpu.memory_space<hbm>>) target(%dma_start3A_4 : memref<128xf32, #tpu.memory_space<vmem>>) offsets(%dma_start3A_7 : memref<128xi32, #tpu.memory_space<vmem>>) semaphore(%arg11 : memref<!tpu.dma_semaphore, #tpu.memory_space<semaphore_mem>>)
    %dma_start3A_10 = arith.constant 0 : i32
    %dma_start3A_11 = arith.constant 0 : i32
    %dma_start3A_12 = tpu.memref_slice %arg10[%dma_start3A_11] : memref<512xf32, #tpu.memory_space<vmem>> -> memref<128xf32, #tpu.memory_space<vmem>>
    %dma_start3A_13 = arith.constant 0 : i32
    %dma_start3A_14 = tpu.memref_slice %arg8[%dma_start3A_10, %dma_start3A_13] : memref<4x128xi32, #tpu.memory_space<vmem>> -> memref<1x128xi32, #tpu.memory_space<vmem>>
    %dma_start3A_15 = tpu.memref_squeeze %dma_start3A_14 : memref<1x128xi32, #tpu.memory_space<vmem>> -> memref<128xi32, #tpu.memory_space<vmem>>
    %dma_start3A_16 = arith.constant 0 : i32
    %dma_start3A_17 = tpu.memref_slice %arg3[%dma_start3A_16] : memref<114688xf32, #tpu.memory_space<hbm>> -> memref<114688xf32, #tpu.memory_space<hbm>>
    tpu.enqueue_indirect_dma source(%dma_start3A_17 : memref<114688xf32, #tpu.memory_space<hbm>>) target(%dma_start3A_12 : memref<128xf32, #tpu.memory_space<vmem>>) offsets(%dma_start3A_15 : memref<128xi32, #tpu.memory_space<vmem>>) semaphore(%arg11 : memref<!tpu.dma_semaphore, #tpu.memory_space<semaphore_mem>>)
    %dma_start3A_18 = arith.constant 1 : i32
    %dma_start3A_19 = arith.constant 128 : i32
    %dma_start3A_20 = tpu.memref_slice %arg9[%dma_start3A_19] : memref<512xf32, #tpu.memory_space<vmem>> -> memref<128xf32, #tpu.memory_space<vmem>>
    %dma_start3A_21 = arith.constant 0 : i32
    %dma_start3A_22 = tpu.memref_slice %arg7[%dma_start3A_18, %dma_start3A_21] : memref<4x128xi32, #tpu.memory_space<vmem>> -> memref<1x128xi32, #tpu.memory_space<vmem>>
    %dma_start3A_23 = tpu.memref_squeeze %dma_start3A_22 : memref<1x128xi32, #tpu.memory_space<vmem>> -> memref<128xi32, #tpu.memory_space<vmem>>
    %dma_start3A_24 = arith.constant 0 : i32
    %dma_start3A_25 = tpu.memref_slice %arg2[%dma_start3A_24] : memref<114688xf32, #tpu.memory_space<hbm>> -> memref<114688xf32, #tpu.memory_space<hbm>>
    tpu.enqueue_indirect_dma source(%dma_start3A_25 : memref<114688xf32, #tpu.memory_space<hbm>>) target(%dma_start3A_20 : memref<128xf32, #tpu.memory_space<vmem>>) offsets(%dma_start3A_23 : memref<128xi32, #tpu.memory_space<vmem>>) semaphore(%arg11 : memref<!tpu.dma_semaphore, #tpu.memory_space<semaphore_mem>>)
    %dma_start3A_26 = arith.constant 1 : i32
    %dma_start3A_27 = arith.constant 128 : i32
    %dma_start3A_28 = tpu.memref_slice %arg10[%dma_start3A_27] : memref<512xf32, #tpu.memory_space<vmem>> -> memref<128xf32, #tpu.memory_space<vmem>>
    %dma_start3A_29 = arith.constant 0 : i32
    %dma_start3A_30 = tpu.memref_slice %arg8[%dma_start3A_26, %dma_start3A_29] : memref<4x128xi32, #tpu.memory_space<vmem>> -> memref<1x128xi32, #tpu.memory_space<vmem>>
    %dma_start3A_31 = tpu.memref_squeeze %dma_start3A_30 : memref<1x128xi32, #tpu.memory_space<vmem>> -> memref<128xi32, #tpu.memory_space<vmem>>
    %dma_start3A_32 = arith.constant 0 : i32
    %dma_start3A_33 = tpu.memref_slice %arg3[%dma_start3A_32] : memref<114688xf32, #tpu.memory_space<hbm>> -> memref<114688xf32, #tpu.memory_space<hbm>>
    tpu.enqueue_indirect_dma source(%dma_start3A_33 : memref<114688xf32, #tpu.memory_space<hbm>>) target(%dma_start3A_28 : memref<128xf32, #tpu.memory_space<vmem>>) offsets(%dma_start3A_31 : memref<128xi32, #tpu.memory_space<vmem>>) semaphore(%arg11 : memref<!tpu.dma_semaphore, #tpu.memory_space<semaphore_mem>>)
    %dma_start3A_34 = arith.constant 2 : i32
    %dma_start3A_35 = arith.constant 256 : i32
    %dma_start3A_36 = tpu.memref_slice %arg9[%dma_start3A_35] : memref<512xf32, #tpu.memory_space<vmem>> -> memref<128xf32, #tpu.memory_space<vmem>>
    %dma_start3A_37 = arith.constant 0 : i32
    %dma_start3A_38 = tpu.memref_slice %arg7[%dma_start3A_34, %dma_start3A_37] : memref<4x128xi32, #tpu.memory_space<vmem>> -> memref<1x128xi32, #tpu.memory_space<vmem>>
    %dma_start3A_39 = tpu.memref_squeeze %dma_start3A_38 : memref<1x128xi32, #tpu.memory_space<vmem>> -> memref<128xi32, #tpu.memory_space<vmem>>
    %dma_start3A_40 = arith.constant 0 : i32
    %dma_start3A_41 = tpu.memref_slice %arg2[%dma_start3A_40] : memref<114688xf32, #tpu.memory_space<hbm>> -> memref<114688xf32, #tpu.memory_space<hbm>>
    tpu.enqueue_indirect_dma source(%dma_start3A_41 : memref<114688xf32, #tpu.memory_space<hbm>>) target(%dma_start3A_36 : memref<128xf32, #tpu.memory_space<vmem>>) offsets(%dma_start3A_39 : memref<128xi32, #tpu.memory_space<vmem>>) semaphore(%arg11 : memref<!tpu.dma_semaphore, #tpu.memory_space<semaphore_mem>>)
    %dma_start3A_42 = arith.constant 2 : i32
    %dma_start3A_43 = arith.constant 256 : i32
    %dma_start3A_44 = tpu.memref_slice %arg10[%dma_start3A_43] : memref<512xf32, #tpu.memory_space<vmem>> -> memref<128xf32, #tpu.memory_space<vmem>>
    %dma_start3A_45 = arith.constant 0 : i32
    %dma_start3A_46 = tpu.memref_slice %arg8[%dma_start3A_42, %dma_start3A_45] : memref<4x128xi32, #tpu.memory_space<vmem>> -> memref<1x128xi32, #tpu.memory_space<vmem>>
    %dma_start3A_47 = tpu.memref_squeeze %dma_start3A_46 : memref<1x128xi32, #tpu.memory_space<vmem>> -> memref<128xi32, #tpu.memory_space<vmem>>
    %dma_start3A_48 = arith.constant 0 : i32
    %dma_start3A_49 = tpu.memref_slice %arg3[%dma_start3A_48] : memref<114688xf32, #tpu.memory_space<hbm>> -> memref<114688xf32, #tpu.memory_space<hbm>>
    tpu.enqueue_indirect_dma source(%dma_start3A_49 : memref<114688xf32, #tpu.memory_space<hbm>>) target(%dma_start3A_44 : memref<128xf32, #tpu.memory_space<vmem>>) offsets(%dma_start3A_47 : memref<128xi32, #tpu.memory_space<vmem>>) semaphore(%arg11 : memref<!tpu.dma_semaphore, #tpu.memory_space<semaphore_mem>>)
    %dma_start3A_50 = arith.constant 3 : i32
    %dma_start3A_51 = arith.constant 384 : i32
    %dma_start3A_52 = tpu.memref_slice %arg9[%dma_start3A_51] : memref<512xf32, #tpu.memory_space<vmem>> -> memref<128xf32, #tpu.memory_space<vmem>>
    %dma_start3A_53 = arith.constant 0 : i32
    %dma_start3A_54 = tpu.memref_slice %arg7[%dma_start3A_50, %dma_start3A_53] : memref<4x128xi32, #tpu.memory_space<vmem>> -> memref<1x128xi32, #tpu.memory_space<vmem>>
    %dma_start3A_55 = tpu.memref_squeeze %dma_start3A_54 : memref<1x128xi32, #tpu.memory_space<vmem>> -> memref<128xi32, #tpu.memory_space<vmem>>
    %dma_start3A_56 = arith.constant 0 : i32
    %dma_start3A_57 = tpu.memref_slice %arg2[%dma_start3A_56] : memref<114688xf32, #tpu.memory_space<hbm>> -> memref<114688xf32, #tpu.memory_space<hbm>>
    tpu.enqueue_indirect_dma source(%dma_start3A_57 : memref<114688xf32, #tpu.memory_space<hbm>>) target(%dma_start3A_52 : memref<128xf32, #tpu.memory_space<vmem>>) offsets(%dma_start3A_55 : memref<128xi32, #tpu.memory_space<vmem>>) semaphore(%arg11 : memref<!tpu.dma_semaphore, #tpu.memory_space<semaphore_mem>>)
    %dma_start3A_58 = arith.constant 3 : i32
    %dma_start3A_59 = arith.constant 384 : i32
    %dma_start3A_60 = tpu.memref_slice %arg10[%dma_start3A_59] : memref<512xf32, #tpu.memory_space<vmem>> -> memref<128xf32, #tpu.memory_space<vmem>>
    %dma_start3A_61 = arith.constant 0 : i32
    %dma_start3A_62 = tpu.memref_slice %arg8[%dma_start3A_58, %dma_start3A_61] : memref<4x128xi32, #tpu.memory_space<vmem>> -> memref<1x128xi32, #tpu.memory_space<vmem>>
    %dma_start3A_63 = tpu.memref_squeeze %dma_start3A_62 : memref<1x128xi32, #tpu.memory_space<vmem>> -> memref<128xi32, #tpu.memory_space<vmem>>
    %dma_start3A_64 = arith.constant 0 : i32
    %dma_start3A_65 = tpu.memref_slice %arg3[%dma_start3A_64] : memref<114688xf32, #tpu.memory_space<hbm>> -> memref<114688xf32, #tpu.memory_space<hbm>>
    tpu.enqueue_indirect_dma source(%dma_start3A_65 : memref<114688xf32, #tpu.memory_space<hbm>>) target(%dma_start3A_60 : memref<128xf32, #tpu.memory_space<vmem>>) offsets(%dma_start3A_63 : memref<128xi32, #tpu.memory_space<vmem>>) semaphore(%arg11 : memref<!tpu.dma_semaphore, #tpu.memory_space<semaphore_mem>>)
    %dma_wait3A = arith.constant 0 : i32
    %dma_wait3A_66 = arith.constant 0 : i32
    %dma_wait3A_67 = tpu.memref_slice %arg9[%dma_wait3A_66] : memref<512xf32, #tpu.memory_space<vmem>> -> memref<128xf32, #tpu.memory_space<vmem>>
    %dma_wait3A_68 = arith.constant 0 : i32
    %dma_wait3A_69 = tpu.memref_slice %arg7[%dma_wait3A, %dma_wait3A_68] : memref<4x128xi32, #tpu.memory_space<vmem>> -> memref<1x128xi32, #tpu.memory_space<vmem>>
    %dma_wait3A_70 = tpu.memref_squeeze %dma_wait3A_69 : memref<1x128xi32, #tpu.memory_space<vmem>> -> memref<128xi32, #tpu.memory_space<vmem>>
    %dma_wait3A_71 = arith.constant 0 : i32
    %dma_wait3A_72 = tpu.memref_slice %arg2[%dma_wait3A_71] : memref<114688xf32, #tpu.memory_space<hbm>> -> memref<114688xf32, #tpu.memory_space<hbm>>
    tpu.wait_indirect_dma semaphore(%arg11 : memref<!tpu.dma_semaphore, #tpu.memory_space<semaphore_mem>>) src(%dma_wait3A_72 : memref<114688xf32, #tpu.memory_space<hbm>>) dst(%dma_wait3A_67 : memref<128xf32, #tpu.memory_space<vmem>>)
    %dma_wait3A_73 = arith.constant 0 : i32
    %dma_wait3A_74 = arith.constant 0 : i32
    %dma_wait3A_75 = tpu.memref_slice %arg10[%dma_wait3A_74] : memref<512xf32, #tpu.memory_space<vmem>> -> memref<128xf32, #tpu.memory_space<vmem>>
    %dma_wait3A_76 = arith.constant 0 : i32
    %dma_wait3A_77 = tpu.memref_slice %arg8[%dma_wait3A_73, %dma_wait3A_76] : memref<4x128xi32, #tpu.memory_space<vmem>> -> memref<1x128xi32, #tpu.memory_space<vmem>>
    %dma_wait3A_78 = tpu.memref_squeeze %dma_wait3A_77 : memref<1x128xi32, #tpu.memory_space<vmem>> -> memref<128xi32, #tpu.memory_space<vmem>>
    %dma_wait3A_79 = arith.constant 0 : i32
    %dma_wait3A_80 = tpu.memref_slice %arg3[%dma_wait3A_79] : memref<114688xf32, #tpu.memory_space<hbm>> -> memref<114688xf32, #tpu.memory_space<hbm>>
    tpu.wait_indirect_dma semaphore(%arg11 : memref<!tpu.dma_semaphore, #tpu.memory_space<semaphore_mem>>) src(%dma_wait3A_80 : memref<114688xf32, #tpu.memory_space<hbm>>) dst(%dma_wait3A_75 : memref<128xf32, #tpu.memory_space<vmem>>)
    %dma_wait3A_81 = arith.constant 1 : i32
    %dma_wait3A_82 = arith.constant 128 : i32
    %dma_wait3A_83 = tpu.memref_slice %arg9[%dma_wait3A_82] : memref<512xf32, #tpu.memory_space<vmem>> -> memref<128xf32, #tpu.memory_space<vmem>>
    %dma_wait3A_84 = arith.constant 0 : i32
    %dma_wait3A_85 = tpu.memref_slice %arg7[%dma_wait3A_81, %dma_wait3A_84] : memref<4x128xi32, #tpu.memory_space<vmem>> -> memref<1x128xi32, #tpu.memory_space<vmem>>
    %dma_wait3A_86 = tpu.memref_squeeze %dma_wait3A_85 : memref<1x128xi32, #tpu.memory_space<vmem>> -> memref<128xi32, #tpu.memory_space<vmem>>
    %dma_wait3A_87 = arith.constant 0 : i32
    %dma_wait3A_88 = tpu.memref_slice %arg2[%dma_wait3A_87] : memref<114688xf32, #tpu.memory_space<hbm>> -> memref<114688xf32, #tpu.memory_space<hbm>>
    tpu.wait_indirect_dma semaphore(%arg11 : memref<!tpu.dma_semaphore, #tpu.memory_space<semaphore_mem>>) src(%dma_wait3A_88 : memref<114688xf32, #tpu.memory_space<hbm>>) dst(%dma_wait3A_83 : memref<128xf32, #tpu.memory_space<vmem>>)
    %dma_wait3A_89 = arith.constant 1 : i32
    %dma_wait3A_90 = arith.constant 128 : i32
    %dma_wait3A_91 = tpu.memref_slice %arg10[%dma_wait3A_90] : memref<512xf32, #tpu.memory_space<vmem>> -> memref<128xf32, #tpu.memory_space<vmem>>
    %dma_wait3A_92 = arith.constant 0 : i32
    %dma_wait3A_93 = tpu.memref_slice %arg8[%dma_wait3A_89, %dma_wait3A_92] : memref<4x128xi32, #tpu.memory_space<vmem>> -> memref<1x128xi32, #tpu.memory_space<vmem>>
    %dma_wait3A_94 = tpu.memref_squeeze %dma_wait3A_93 : memref<1x128xi32, #tpu.memory_space<vmem>> -> memref<128xi32, #tpu.memory_space<vmem>>
    %dma_wait3A_95 = arith.constant 0 : i32
    %dma_wait3A_96 = tpu.memref_slice %arg3[%dma_wait3A_95] : memref<114688xf32, #tpu.memory_space<hbm>> -> memref<114688xf32, #tpu.memory_space<hbm>>
    tpu.wait_indirect_dma semaphore(%arg11 : memref<!tpu.dma_semaphore, #tpu.memory_space<semaphore_mem>>) src(%dma_wait3A_96 : memref<114688xf32, #tpu.memory_space<hbm>>) dst(%dma_wait3A_91 : memref<128xf32, #tpu.memory_space<vmem>>)
    %dma_wait3A_97 = arith.constant 2 : i32
    %dma_wait3A_98 = arith.constant 256 : i32
    %dma_wait3A_99 = tpu.memref_slice %arg9[%dma_wait3A_98] : memref<512xf32, #tpu.memory_space<vmem>> -> memref<128xf32, #tpu.memory_space<vmem>>
    %dma_wait3A_100 = arith.constant 0 : i32
    %dma_wait3A_101 = tpu.memref_slice %arg7[%dma_wait3A_97, %dma_wait3A_100] : memref<4x128xi32, #tpu.memory_space<vmem>> -> memref<1x128xi32, #tpu.memory_space<vmem>>
    %dma_wait3A_102 = tpu.memref_squeeze %dma_wait3A_101 : memref<1x128xi32, #tpu.memory_space<vmem>> -> memref<128xi32, #tpu.memory_space<vmem>>
    %dma_wait3A_103 = arith.constant 0 : i32
    %dma_wait3A_104 = tpu.memref_slice %arg2[%dma_wait3A_103] : memref<114688xf32, #tpu.memory_space<hbm>> -> memref<114688xf32, #tpu.memory_space<hbm>>
    tpu.wait_indirect_dma semaphore(%arg11 : memref<!tpu.dma_semaphore, #tpu.memory_space<semaphore_mem>>) src(%dma_wait3A_104 : memref<114688xf32, #tpu.memory_space<hbm>>) dst(%dma_wait3A_99 : memref<128xf32, #tpu.memory_space<vmem>>)
    %dma_wait3A_105 = arith.constant 2 : i32
    %dma_wait3A_106 = arith.constant 256 : i32
    %dma_wait3A_107 = tpu.memref_slice %arg10[%dma_wait3A_106] : memref<512xf32, #tpu.memory_space<vmem>> -> memref<128xf32, #tpu.memory_space<vmem>>
    %dma_wait3A_108 = arith.constant 0 : i32
    %dma_wait3A_109 = tpu.memref_slice %arg8[%dma_wait3A_105, %dma_wait3A_108] : memref<4x128xi32, #tpu.memory_space<vmem>> -> memref<1x128xi32, #tpu.memory_space<vmem>>
    %dma_wait3A_110 = tpu.memref_squeeze %dma_wait3A_109 : memref<1x128xi32, #tpu.memory_space<vmem>> -> memref<128xi32, #tpu.memory_space<vmem>>
    %dma_wait3A_111 = arith.constant 0 : i32
    %dma_wait3A_112 = tpu.memref_slice %arg3[%dma_wait3A_111] : memref<114688xf32, #tpu.memory_space<hbm>> -> memref<114688xf32, #tpu.memory_space<hbm>>
    tpu.wait_indirect_dma semaphore(%arg11 : memref<!tpu.dma_semaphore, #tpu.memory_space<semaphore_mem>>) src(%dma_wait3A_112 : memref<114688xf32, #tpu.memory_space<hbm>>) dst(%dma_wait3A_107 : memref<128xf32, #tpu.memory_space<vmem>>)
    %dma_wait3A_113 = arith.constant 3 : i32
    %dma_wait3A_114 = arith.constant 384 : i32
    %dma_wait3A_115 = tpu.memref_slice %arg9[%dma_wait3A_114] : memref<512xf32, #tpu.memory_space<vmem>> -> memref<128xf32, #tpu.memory_space<vmem>>
    %dma_wait3A_116 = arith.constant 0 : i32
    %dma_wait3A_117 = tpu.memref_slice %arg7[%dma_wait3A_113, %dma_wait3A_116] : memref<4x128xi32, #tpu.memory_space<vmem>> -> memref<1x128xi32, #tpu.memory_space<vmem>>
    %dma_wait3A_118 = tpu.memref_squeeze %dma_wait3A_117 : memref<1x128xi32, #tpu.memory_space<vmem>> -> memref<128xi32, #tpu.memory_space<vmem>>
    %dma_wait3A_119 = arith.constant 0 : i32
    %dma_wait3A_120 = tpu.memref_slice %arg2[%dma_wait3A_119] : memref<114688xf32, #tpu.memory_space<hbm>> -> memref<114688xf32, #tpu.memory_space<hbm>>
    tpu.wait_indirect_dma semaphore(%arg11 : memref<!tpu.dma_semaphore, #tpu.memory_space<semaphore_mem>>) src(%dma_wait3A_120 : memref<114688xf32, #tpu.memory_space<hbm>>) dst(%dma_wait3A_115 : memref<128xf32, #tpu.memory_space<vmem>>)
    %dma_wait3A_121 = arith.constant 3 : i32
    %dma_wait3A_122 = arith.constant 384 : i32
    %dma_wait3A_123 = tpu.memref_slice %arg10[%dma_wait3A_122] : memref<512xf32, #tpu.memory_space<vmem>> -> memref<128xf32, #tpu.memory_space<vmem>>
    %dma_wait3A_124 = arith.constant 0 : i32
    %dma_wait3A_125 = tpu.memref_slice %arg8[%dma_wait3A_121, %dma_wait3A_124] : memref<4x128xi32, #tpu.memory_space<vmem>> -> memref<1x128xi32, #tpu.memory_space<vmem>>
    %dma_wait3A_126 = tpu.memref_squeeze %dma_wait3A_125 : memref<1x128xi32, #tpu.memory_space<vmem>> -> memref<128xi32, #tpu.memory_space<vmem>>
    %dma_wait3A_127 = arith.constant 0 : i32
    %dma_wait3A_128 = tpu.memref_slice %arg3[%dma_wait3A_127] : memref<114688xf32, #tpu.memory_space<hbm>> -> memref<114688xf32, #tpu.memory_space<hbm>>
    tpu.wait_indirect_dma semaphore(%arg11 : memref<!tpu.dma_semaphore, #tpu.memory_space<semaphore_mem>>) src(%dma_wait3A_128 : memref<114688xf32, #tpu.memory_space<hbm>>) dst(%dma_wait3A_123 : memref<128xf32, #tpu.memory_space<vmem>>)
    %scan3A = arith.constant 0 : i32
    %scan3A_129 = arith.constant 0 : i32
    %scan3A_130 = arith.constant 32 : i32
    %scan3A_131 = arith.addi %scan3A_129, %scan3A_130 : i32
    %scan3A_132 = arith.constant 1 : i32
    scf.for %scan3A_136 = %scan3A_129 to %scan3A_131 step %scan3A_132  : i32 {
      %mul3A_137 = arith.constant 16 : i32
      %mul3A_138 = arith.muli %scan3A_136, %mul3A_137 : i32
      %get3A = arith.index_cast %mul3A_138 : i32 to index
      %get3A_139 = tpu.vector_load %arg9[%get3A] {strides = array<i32>} : memref<512xf32, #tpu.memory_space<vmem>>, vector<16xf32>,
      %get3A_140 = arith.index_cast %mul3A_138 : i32 to index
      %get3A_141 = tpu.vector_load %arg10[%get3A_140] {strides = array<i32>} : memref<512xf32, #tpu.memory_space<vmem>>, vector<16xf32>,
      %add3A_142 = arith.addf %get3A_139, %get3A_141 : vector<16xf32>
      %swap3A = arith.index_cast %mul3A_138 : i32 to index
      %swap3A_143 = tpu.vector_load %arg9[%swap3A] {strides = array<i32>} : memref<512xf32, #tpu.memory_space<vmem>>, vector<16xf32>,
      tpu.vector_store %arg9[%swap3A], %add3A_142 {strides = array<i32>} : memref<512xf32, #tpu.memory_space<vmem>>, vector<16xf32>,
    }
    %scan3A_133 = arith.constant 32 : i32
    %mul3A_134 = arith.constant 512 : i32
    %mul3A_135 = arith.muli %add3A, %mul3A_134 : i32
    "tpu.region"() ({
      %run_scoped3A = tpu.sem_alloc : memref<!tpu.dma_semaphore, #tpu.memory_space<semaphore_mem>>
      %dma_start3A_136 = tpu.memref_slice %arg6[%mul3A_135] : memref<16384xf32, #tpu.memory_space<hbm>> -> memref<512xf32, #tpu.memory_space<hbm>>
      %dma_start3A_137 = tpu.memref_slice %arg6[%mul3A_135] : memref<16384xf32, #tpu.memory_space<hbm>> -> memref<512xf32, #tpu.memory_space<hbm>>
      tpu.enqueue_dma source(%arg9 : memref<512xf32, #tpu.memory_space<vmem>>) target(%dma_start3A_137 : memref<512xf32, #tpu.memory_space<hbm>>) target_semaphore(%run_scoped3A : memref<!tpu.dma_semaphore, #tpu.memory_space<semaphore_mem>>)
      %dma_wait3A_138 = tpu.memref_slice %arg6[%mul3A_135] : memref<16384xf32, #tpu.memory_space<hbm>> -> memref<512xf32, #tpu.memory_space<hbm>>
      %dma_wait3A_139 = tpu.memref_slice %arg6[%mul3A_135] : memref<16384xf32, #tpu.memory_space<hbm>> -> memref<512xf32, #tpu.memory_space<hbm>>
      tpu.wait_dma2 semaphore(%run_scoped3A : memref<!tpu.dma_semaphore, #tpu.memory_space<semaphore_mem>>) src(%arg9 : memref<512xf32, #tpu.memory_space<vmem>>) dst(%dma_wait3A_139 : memref<512xf32, #tpu.memory_space<hbm>>)
      tpu.yield
    }) : () -> ()
    return
  }
}

module attributes {stable_mosaic.version = 14 : i64} {
  func.func @_tc_matvec_body(%arg0: i32, %arg1: memref<64x16384xf32, #tpu.memory_space<vmem>>, %arg2: memref<64x16384xf32, #tpu.memory_space<vmem>>, %arg3: memref<128x1xf32, #tpu.memory_space<vmem>>, %arg4: memref<1xf32, #tpu.memory_space<smem>>, %arg5: memref<16384xf32, #tpu.memory_space<vmem>>, %arg6: memref<16384xf32, #tpu.memory_space<vmem>>) attributes {dimension_semantics = [#tpu.dimension_semantics<arbitrary>], iteration_bounds = array<i64: 7>, scalar_prefetch = 0 : i64, scratch_operands = 0 : i64, tpu.core_type = #tpu.core_type<tc>, window_params = [{transform_indices = @transform_0, window_bounds = array<i64: 64, 16384>}, {transform_indices = @transform_1, window_bounds = array<i64: 64, 16384>}, {pipeline_mode = #tpu.pipeline_mode<synchronous>, transform_indices = @transform_2, window_bounds = array<i64: 128, 1>}, {transform_indices = @transform_3, window_bounds = array<i64: 1>}, {transform_indices = @transform_4, window_bounds = array<i64: 16384>}, {transform_indices = @transform_5, window_bounds = array<i64: 16384>}]} {
    %get3A = arith.constant 0 : index
    %get3A_0 = arith.constant 0 : index
    %get3A_1 = vector.load %arg3[%get3A, %get3A_0] : memref<128x1xf32, #tpu.memory_space<vmem>>, vector<64x1xf32>
    %get3A_2 = arith.constant 64 : index
    %get3A_3 = arith.constant 0 : index
    %get3A_4 = vector.load %arg3[%get3A_2, %get3A_3] : memref<128x1xf32, #tpu.memory_space<vmem>>, vector<64x1xf32>
    %get3A_5 = arith.constant 0 : index
    %get3A_6 = arith.constant 0 : index
    %get3A_7 = vector.load %arg1[%get3A_5, %get3A_6] : memref<64x16384xf32, #tpu.memory_space<vmem>>, vector<64x16384xf32>
    %mul3A = vector.broadcast %get3A_1 : vector<64x1xf32> to vector<64x16384xf32>
    %mul3A_8 = arith.mulf %get3A_7, %mul3A : vector<64x16384xf32>
    %reduce_sum3A = arith.constant dense<0.000000e+00> : vector<16384xf32>
    %reduce_sum3A_9 = vector.multi_reduction <add>, %mul3A_8, %reduce_sum3A [0] : vector<64x16384xf32> to vector<16384xf32>
    %get3A_10 = arith.constant 0 : index
    %get3A_11 = memref.load %arg4[%get3A_10] : memref<1xf32, #tpu.memory_space<smem>>
    %add3A = vector.broadcast %get3A_11 : f32 to vector<16384xf32>
    %add3A_12 = arith.addf %reduce_sum3A_9, %add3A : vector<16384xf32>
    %swap3A = arith.constant 0 : index
    %swap3A_13 = vector.load %arg5[%swap3A] : memref<16384xf32, #tpu.memory_space<vmem>>, vector<16384xf32>
    tpu.vector_store %arg5[%swap3A], %add3A_12 {strides = array<i32>} : memref<16384xf32, #tpu.memory_space<vmem>>, vector<16384xf32>,
    %get3A_14 = arith.constant 0 : index
    %get3A_15 = arith.constant 0 : index
    %get3A_16 = vector.load %arg2[%get3A_14, %get3A_15] : memref<64x16384xf32, #tpu.memory_space<vmem>>, vector<64x16384xf32>
    %mul3A_17 = vector.broadcast %get3A_4 : vector<64x1xf32> to vector<64x16384xf32>
    %mul3A_18 = arith.mulf %get3A_16, %mul3A_17 : vector<64x16384xf32>
    %reduce_sum3A_19 = arith.constant dense<0.000000e+00> : vector<16384xf32>
    %reduce_sum3A_20 = vector.multi_reduction <add>, %mul3A_18, %reduce_sum3A_19 [0] : vector<64x16384xf32> to vector<16384xf32>
    %swap3A_21 = arith.constant 0 : index
    %swap3A_22 = vector.load %arg6[%swap3A_21] : memref<16384xf32, #tpu.memory_space<vmem>>, vector<16384xf32>
    tpu.vector_store %arg6[%swap3A_21], %reduce_sum3A_20 {strides = array<i32>} : memref<16384xf32, #tpu.memory_space<vmem>>, vector<16384xf32>,
    return
  }
  func.func @transform_0(%arg0: i32) -> (i32, i32) {
    %c0_i32 = arith.constant 0 : i32
    %c0_i32_0 = arith.constant 0 : i32
    return %c0_i32, %arg0 : i32, i32
  }
  func.func @transform_1(%arg0: i32) -> (i32, i32) {
    %c0_i32 = arith.constant 0 : i32
    %c0_i32_0 = arith.constant 0 : i32
    return %c0_i32, %arg0 : i32, i32
  }
  func.func @transform_2(%arg0: i32) -> (i32, i32) {
    %c0_i32 = arith.constant 0 : i32
    %c0_i32_0 = arith.constant 0 : i32
    %c0_i32_1 = arith.constant 0 : i32
    return %c0_i32, %c0_i32_0 : i32, i32
  }
  func.func @transform_3(%arg0: i32) -> i32 {
    %c0_i32 = arith.constant 0 : i32
    %c0_i32_0 = arith.constant 0 : i32
    return %c0_i32 : i32
  }
  func.func @transform_4(%arg0: i32) -> i32 {
    %c0_i32 = arith.constant 0 : i32
    return %arg0 : i32
  }
  func.func @transform_5(%arg0: i32) -> i32 {
    %c0_i32 = arith.constant 0 : i32
    return %arg0 : i32
  }
}

</mosaic_0001>

<sc_bundles>
// kernel: kernel.4.cloned.1.call-start
scs
__scs_entry_jumppad:
0x0: {  	(pc) =	sbr.rel $0x88, $3  }
0x1: {  	(tag) =	ssettag $0x0;
	lr =	simm.s32 $0x1  }
0x2: {  	[smem:$0x3F9C] =	sst lr;
	_ =	strace $0xD0000000  }
0x3: {  	_ = 	snop  }
0x4: {  	_ = 	snop  }
0x5: {  	_ = 	snop  }
0x6: {  	_ = 	snop  }
0x7: {  	_ = 	snop  }
__scs_overlays_trampoline_lowered:
0x8: {  	[smem:$0x3FAB] =	sst s0  }
0x9: {  	[smem:$0x3FAC] =	sst s1  }
0xa: {  	[smem:$0x3FAD] =	sst s2  }
0xb: {  	[smem:$0x3FAE] =	sst s3  }
0xc: {  	[smem:$0x3FAF] =	sst s4  }
0xd: {  	[smem:$0x3FB0] =	sst s5  }
0xe: {  	[smem:$0x3FB1] =	sst s6  }
0xf: {  	[smem:$0x3FB2] =	sst s7  }
0x10: {  	[smem:$0x3FB3] =	sst s8  }
0x11: {  	[smem:$0x3FB4] =	sst s9;
	s0 =	simm.s32 @!p0 $0x0  }
0x12: {  	s1 =	sld [smem:$0x3F9A];
	s0 =	simm.s32 @p0 $0x1  }
0x13: {  	[smem:$0x3FB5] =	sst s0;
	s0 =	simm.s32 @!p1 $0x0  }
0x14: {  	s2 =	sld [smem:$0x3F99];
	s0 =	simm.s32 @p1 $0x1  }
0x15: {  	[smem:$0x3FB6] =	sst s0;
	s0 =	simm.s32 @!p2 $0x0  }
0x16: {  	s3 =	sld [smem:$0x3FDB];
	s0 =	simm.s32 @p2 $0x1  }
0x17: {  	s4 =	simm.s32 $0x1BF5;
	[smem:$0x3FB8] =	sst s0  }
0x18: {  	s0 =	sld [smem:$0x3F9B];
	_ =	swait.ge [sflag:s4], $0x0  }
0x19: {  	s7 =	sld [smem:$0x3F9C]  }
0x1a: {  	s8 =	sadd.s32 $0xFFFFE003, lr  }
0x1b: {  	s9 =	sadd.s32 $0xFFFFFEF7, lr;
	s5 =	simm.s32 $0xFFFFFFFF;
	p2 =	slt.u32 s8, $0xFFFFF086  }
0x1c: {  	p1 =	slt.u32 s9, $0xF7A;
	s5 =	simm.s32 @!p2 $0x0  }
0x1d: {  	s5 =	simm.s32 @p1 $0x1;
	p0 =	seq.s32 s7, s2  }
0x1e: {  	s7 =	smul.u32 @!p0 $0xF7A, s2;
	p2 =	seq.s32 @!p0 s5, $0x0  }
0x1f: {  	s9 =	smul.u32 $0xF7A, s1;
	s8 =	simm.s32 @!p0 $0x1BF5;
	p2 =	por !p2, p0  }
0x20: {  	[sflag:s8] =	ssyncset.s32 @!p0 $0xFFFFF086;
	s6 =	sadd.s32 @!p0 s3, s7;
	s7 =	simm.s32 @!p0 $0x108  }
0x21: {  	s3 =	sadd.s32 s3, s9;
	s6 =	sadd.s32 @!p0 $0x88, s6;
	s7 =	simm.s32 @p2 $0x1082  }
0x22: {  	[simem:s7], [sflag:s8] =	dma.local @!p0 [hbm:s6], $0xF7A  }
0x23: {  	s9 =	sor.u32 $0xD0000000, s2;
	s6 =	simm.s32 $0x108;
	_ =	swait.ge @!p0 [sflag:s8], $0x0  }
0x24: {  	s3 =	sadd.s32 $0x88, s3;
	s6 =	simm.s32 @!p1 $0x1082;
	[sflag:s4] =	ssyncset.s32 $0xFFFFF086  }
0x25: {  	[simem:s6], [sflag:s4] =	dma.local [hbm:s3], $0xF7A  }
0x26: {  	[smem:$0x3F9C] =	sst s1;
	(tag) =	ssettag s2;
	_ =	strace s9  }
0x27: {  	s1 =	sld [smem:$0x3FAC]  }
0x28: {  	s2 =	sld [smem:$0x3FAD]  }
0x29: {  	s4 =	sld [smem:$0x3FAF]  }
0x2a: {  	p0 =	seq.s32 s5, $0x0;
	s5 =	sld [smem:$0x3FB0]  }
0x2b: {  	s6 =	sld [smem:$0x3FB1]  }
0x2c: {  	s7 =	sld [smem:$0x3FB2]  }
0x2d: {  	s3 =	simm.s32 $0x108;
	s8 =	sld [smem:$0x3FB3]  }
0x2e: {  	s3 =	simm.s32 @!p0 $0x1082;
	s9 =	sld [smem:$0x3FB4]  }
0x2f: {  	lr =	sadd.s32 s0, s3;
	s0 =	sld [smem:$0x3FAB]  }
0x30: {  	s3 =	sld [smem:$0x3FAE]  }
0x31: {  	[smem:$0x3FB7] =	sst s10  }
0x32: {  	s10 =	sld [smem:$0x3FB5];
	_ =	sdelay $0x3  }
0x33: {  	p0 =	seq.s32 s10, $0x1;
	s10 =	sld [smem:$0x3FB7];
	_ =	sdelay $0x3  }
0x34: {  	[smem:$0x3FB7] =	sst s10  }
0x35: {  	s10 =	sld [smem:$0x3FB6];
	_ =	sdelay $0x3  }
0x36: {  	p1 =	seq.s32 s10, $0x1;
	s10 =	sld [smem:$0x3FB7];
	_ =	sdelay $0x3  }
0x37: {  	[smem:$0x3FB7] =	sst s10  }
0x38: {  	s10 =	sld [smem:$0x3FB8]  }
0x39: {  	_ = 	snop;
	(pc) =	sbr.ind lr, $3  }
0x3a: {  	_ = 	snop  }
0x3b: {  	_ = 	snop  }
0x3c: {  	p2 =	seq.s32 s10, $0x1;
	s10 =	sld [smem:$0x3FB7]  }
0x3d: {  	_ =	shalt  }
0x3e: {  	_ =	shalt  }
0x3f: {  	_ =	shalt  }
0x40: {  	_ =	shalt  }
0x41: {  	_ =	shalt  }
0x42: {  	_ =	shalt  }
0x43: {  	_ =	shalt  }
0x44: {  	_ =	shalt  }
0x45: {  	_ =	shalt  }
0x46: {  	_ =	shalt  }
0x47: {  	_ =	shalt  }
0x48: {  	_ =	shalt  }
0x49: {  	_ =	shalt  }
0x4a: {  	_ =	shalt  }
0x4b: {  	_ =	shalt  }
0x4c: {  	_ =	shalt  }
0x4d: {  	_ =	shalt  }
0x4e: {  	_ =	shalt  }
0x4f: {  	_ =	shalt  }
0x50: {  	_ =	shalt  }
0x51: {  	_ =	shalt  }
0x52: {  	_ =	shalt  }
0x53: {  	_ =	shalt  }
0x54: {  	_ =	shalt  }
0x55: {  	_ =	shalt  }
0x56: {  	_ =	shalt  }
0x57: {  	_ =	shalt  }
0x58: {  	_ =	shalt  }
0x59: {  	_ =	shalt  }
0x5a: {  	_ =	shalt  }
0x5b: {  	_ =	shalt  }
0x5c: {  	_ =	shalt  }
0x5d: {  	_ =	shalt  }
0x5e: {  	_ =	shalt  }
0x5f: {  	_ =	shalt  }
0x60: {  	_ =	shalt  }
0x61: {  	_ =	shalt  }
0x62: {  	_ =	shalt  }
0x63: {  	_ =	shalt  }
0x64: {  	_ =	shalt  }
0x65: {  	_ =	shalt  }
0x66: {  	_ =	shalt  }
0x67: {  	_ =	shalt  }
0x68: {  	_ =	shalt  }
0x69: {  	_ =	shalt  }
0x6a: {  	_ =	shalt  }
0x6b: {  	_ =	shalt  }
0x6c: {  	_ =	shalt  }
0x6d: {  	_ =	shalt  }
0x6e: {  	_ =	shalt  }
0x6f: {  	_ =	shalt  }
0x70: {  	_ =	shalt  }
0x71: {  	_ =	shalt  }
0x72: {  	_ =	shalt  }
0x73: {  	_ =	shalt  }
0x74: {  	_ =	shalt  }
0x75: {  	_ =	shalt  }
0x76: {  	_ =	shalt  }
0x77: {  	_ =	shalt  }
0x78: {  	_ =	shalt  }
0x79: {  	_ =	shalt  }
0x7a: {  	_ =	shalt  }
0x7b: {  	_ =	shalt  }
0x7c: {  	_ =	shalt  }
0x7d: {  	_ =	shalt  }
0x7e: {  	_ =	shalt  }
0x7f: {  	_ =	shalt  }
0x80: {  	_ =	shalt  }
0x81: {  	_ =	shalt  }
0x82: {  	_ =	shalt  }
0x83: {  	_ =	shalt  }
0x84: {  	_ =	shalt  }
0x85: {  	_ =	shalt  }
0x86: {  	_ =	shalt  }
0x87: {  	_ =	shalt  }
.Lfunc_end0:
.L_simem_size_0:
called_computation_lowered:
.L_overlay_start_0:
0x88: {  	s2 =	sld [smem:$0x3FD9]  }
0x89: {  	s3 =	sld [smem:$0x3FFE];
	_ =	sdelay $0x1  }
0x8a: {  	s1 =	srdreg.scid  }
0x8b: {  	s0 =	sand.u32 $0x1, s1  }
0x8c: {  	s17 =	sshll.u32 s0, $0xA;
	s2 =	sadd.s32 s3, s2  }
0x8d: {  	s2 =	sadd.s32 s2, s17  }
0x8e: {  	[smem:$0x3FC3] =	sst s2  }
0x8f: {  	_ = 	snop  }
0x90: {  	s2 =	sld [smem:$0x3FD0];
	(tm) =	ssettm $0x1  }
0x91: {  	s18 =	sld [smem:$0x3FFB];
	_ =	sdelay $0x3  }
0x92: {  	_ =	strace s18  }
0x93: {  	s3 =	sld [smem:$0x3FFC];
	_ =	sdelay $0x3  }
0x94: {  	_ =	strace s3  }
0x95: {  	s3 =	sld [smem:$0x3FFD];
	_ =	sdelay $0x3  }
0x96: {  	_ =	strace s3  }
0x97: {  	_ =	strace $0x8FFFFFFF  }
0x98: {  	s19 =	sld [smem:$0x3FDB];
	_ =	sdelay $0x1  }
0x99: {  	s4 =	simm.s32 $_scs_section_size  }
0x9a: {  	s5 =	simm.s32 $_size__tile_overlayer_lowered;
	s6 =	simm.s32 $_tile_overlayer_lowered  }
0x9b: {  	s22 =	simm.s32 $0x1BFF;
	s21 =	sshll.u32 s6, $0x1;
	s3 =	sadd.s32 s4, s19  }
0x9c: {  	s7 =	simm.s32 $0x0;
	s20 =	sshll.u32 s5, $0x1;
	s5 =	sadd.s32 s21, s3  }
0x9d: {  	[timem:s7], [sflag:s22] =	dma.local [hbm:s5], s20  }
0x9e: {  	_ =	swait.ge [sflag:s22], s20  }
0x9f: {  	s4 =	ssub.s32 $0x0, s20;
	[sflag:s22] =	ssyncset.done $0x0  }
0xa0: {  	[sflag:s22] =	ssyncadd.s32 s4;
	_ =	sdelay $0x1  }
0xa1: {  	s23 =	simm.s32 $0x1B8B  }
0xa2: {  	_ =	swait.ge [sflag:s23], $0x1  }
0xa3: {  	[sflag:s23] =	ssyncset.done $0x0  }
0xa4: {  	s25 =	simm.s32 $0x1B8E;
	s24 =	sld [smem:$0x3FFE];
	[sflag:s23] =	ssyncadd.s32 $0xFFFFFFFF  }
0xa5: {  	s26 =	simm.s32 $execute0_lowered;
	[smem:$0x3FD2] =	sst s25  }
0xa6: {  	s5 =	sshll.u32 s26, $0x1;
	_ =	strace $0x80000046;
	[dreg:$0x1] =	wrdreg $0xFFFFFFFF  }
0xa7: {  	s28 =	simm.s32 $_size_execute0_lowered;
	s3 =	sadd.s32 s3, s5;
	[dreg:$0x0] =	wrdreg $0x0  }
0xa8: {  	s5 =	sshll.u32 s28, $0x1;
	[dreg:$0x2] =	wrdreg s3  }
0xa9: {  	[dreg:$0x3] =	wrdreg s5  }
0xaa: {  	[dreg:$0x4] =	wrdreg $0xC0  }
0xab: {  	_ =	task [dreg:s7], $0x5FFFF  }
0xac: {  	[dreg:$0x1] =	wrdreg $0xFFFFFFFF  }
0xad: {  	[dreg:$0x0] =	wrdreg $0x60  }
0xae: {  	[dreg:$0x2] =	wrdreg s24  }
0xaf: {  	[dreg:$0x3] =	wrdreg s2  }
0xb0: {  	[dreg:$0x4] =	wrdreg $0x9  }
0xb1: {  	_ =	task.clear_ibuf [dreg:s7], $0x5FFFF;
	_ =	strace $0x90000046  }
0xb2: {  	s29 =	simm.s32 $0x9;
	_ =	strace $0x80000048  }
0xb3: {  	_ =	swait.ge [sflag:s29], $0x1  }
0xb4: {  	[sflag:s29] =	ssyncadd.s32 $0xFFFFFFFF  }
0xb5: {  	_ =	strace $0x90000048  }
0xb6: {  	_ =	sfence  }
0xb7: {  	s30 =	sld [smem:$0x0];
	_ =	sdelay $0x2  }
0xb8: {  	s31 =	sshll.u32 s1, $0xD;
	s1 =	sshrl.u32 s1, $0x2  }
0xb9: {  	s3 =	sand.u32 $0x4000, s31;
	s1 =	sadd.s32 s1, s30  }
0xba: {  	s0 =	sor.u32 s3, s0;
	s1 =	sshll.u32 s1, $0x11  }
0xbb: {  	s0 =	sor.u32 s1, s0  }
0xbc: {  	s0 =	sadd.s32 $0x8F2B, s0  }
0xbd: {  	[sflag:s0] =	ssyncadd.remote.s32 $0x1  }
0xbe: {  	_ =	sfence.sel $0xFFFF  }
0xbf: {  	[dreg:$0x0] =	wrdreg $0xFFFFFFFF;
	(pc) =	sbr.abs _section_cstart, $3  }
0xc0: {  	[dreg:$0x1] =	wrdreg $0xFFFFFFFF  }
0xc1: {  	_ =	task.clear_ibuf [dreg:s7], $0x2FFFF;
	_ =	strace $0x9FFFFFFF  }
0xc2: {  	(tm) =	ssettm $0x7FFFFFFF  }
0xc3: {  	_ =	shalt  }
tec
execute0_lowered:
.L_overlay_start_1:
0x0: {  	(tag) =	ssettag $0x1  }
0x1: {  	s5 =	rddreg [dreg:$0x0]  }
0x2: {  	s6 =	rddreg [dreg:$0x1]  }
0x3: {  	s0 =	rddreg [dreg:$0x2];
	s2 =	simm.s32 $0x0;
	s3 =	srdreg.scid  }
0x4: {  	s1 =	stileid.u32;
	s11 =	simm.s32 $0x80;
	s12 =	simm.s32 $0x400  }
0x5: {  	s13 =	simm.s32 $0x600;
	s14 =	simm.s32 $0x480;
	s15 =	simm.s32 $0x280  }
0x6: {  	s16 =	simm.s32 $0x680;
	s17 =	simm.s32 $0x100;
	s18 =	simm.s32 $0x500  }
0x7: {  	s19 =	simm.s32 $0x300;
	s20 =	simm.s32 $0x700;
	s21 =	simm.s32 $0x180  }
0x8: {  	s22 =	simm.s32 $0x580;
	s23 =	simm.s32 $0x380;
	s24 =	simm.s32 $0x780  }
0x9: {  	s25 =	simm.s32 $0x1;
	s26 =	simm.s32 $0x0;
	[smem:$0x7FF] =	sst s2  }
0xa: {  	s4 =	sand.u32 $0x1, s3;
	s7 =	sshll.u32 s1, $0x7;
	s3 =	sadd.s32 $0x1C00, s5  }
0xb: {  	_ =	strace $0x80000047;
	s8 =	sshll.u32 s4, $0x6;
	s10 =	ssub.s32 $0x2, s4  }
0xc: {  	s4 =	sadd.s32 $0x5400, s5;
	s9 =	sor.u32 s8, s7;
	s31 =	sshrl.u32 s10, $0x1  }
0xd: {  	s8 =	sadd.s32 s6, s8;
	s9 =	sadd.s32 s9, s5;
	s10 =	ssub.s32 s10, s31  }
0xe: {  	s7 =	sadd.s32 s7, s8;
	s5 =	sadd.s32 $0x1400, s9;
	s6 =	sadd.s32 $0xC00, s9  }
0xf: {  	s8 =	smax.u32 s10, $0x1;
	s9 =	simm.s32 $0x2;
	s10 =	simm.s32 $0x200  }
.LBB2_1:
0x10: {  	[tilespmem:s2], [sflag:$0x2] =	stream.linear.gather [hbm4b:s5+s2], $0x200, $0x38;
	[tilespmem:$0x800] =	vst v63  }
0x11: {  	_ =	swait.ge [sflag:s9], $0x200  }
0x12: {  	[sflag:s9] =	ssyncset.done $0x0  }
0x13: {  	[sflag:s9] =	ssyncadd.s32 $0xFFFFFE00  }
0x14: {  	[tilespmem:s10], [sflag:$0x2] =	stream.linear.gather [hbm4b:s6+s2], $0x200, $0x38;
	[tilespmem:$0x800] =	vst v63  }
0x15: {  	_ =	swait.ge [sflag:s9], $0x200  }
0x16: {  	[sflag:s9] =	ssyncset.done $0x0  }
0x17: {  	[sflag:s9] =	ssyncadd.s32 $0xFFFFFE00  }
0x18: {  	[tilespmem:s12], [sflag:$0x1] =	stream.indirect.gather [hbm4b:s3+s11], $0x1, s2, s11, $0xb8;
	[tilespmem:$0x800] =	vst v63  }
0x19: {  	_ = 	snop  }
0x1a: {  	[tilespmem:s13], [sflag:$0x1] =	stream.indirect.gather [hbm4b:s4+s11], $0x1, s10, s11, $0xb8;
	[tilespmem:$0x800] =	vst v63  }
0x1b: {  	_ = 	snop  }
0x1c: {  	[tilespmem:s14], [sflag:$0x1] =	stream.indirect.gather [hbm4b:s3+s11], $0x1, s11, s11, $0xb8;
	[tilespmem:$0x800] =	vst v63  }
0x1d: {  	_ = 	snop  }
0x1e: {  	[tilespmem:s16], [sflag:$0x1] =	stream.indirect.gather [hbm4b:s4+s11], $0x1, s15, s11, $0xb8;
	[tilespmem:$0x800] =	vst v63  }
0x1f: {  	_ = 	snop  }
0x20: {  	[tilespmem:s18], [sflag:$0x1] =	stream.indirect.gather [hbm4b:s3+s11], $0x1, s17, s11, $0xb8;
	[tilespmem:$0x800] =	vst v63  }
0x21: {  	_ = 	snop  }
0x22: {  	[tilespmem:s20], [sflag:$0x1] =	stream.indirect.gather [hbm4b:s4+s11], $0x1, s19, s11, $0xb8;
	[tilespmem:$0x800] =	vst v63  }
0x23: {  	_ = 	snop  }
0x24: {  	[tilespmem:s22], [sflag:$0x1] =	stream.indirect.gather [hbm4b:s3+s11], $0x1, s21, s11, $0xb8;
	[tilespmem:$0x800] =	vst v63  }
0x25: {  	_ = 	snop  }
0x26: {  	[tilespmem:s24], [sflag:$0x1] =	stream.indirect.gather [hbm4b:s4+s11], $0x1, s23, s11, $0xb8;
	[tilespmem:$0x800] =	vst v63  }
0x27: {  	_ =	swait.ge [sflag:s25], $0x80  }
0x28: {  	[sflag:s25] =	ssyncset.done $0x0  }
0x29: {  	[sflag:s25] =	ssyncadd.s32 $0xFFFFFF80  }
0x2a: {  	_ =	swait.ge [sflag:s25], $0x80  }
0x2b: {  	[sflag:s25] =	ssyncset.done $0x0  }
0x2c: {  	[sflag:s25] =	ssyncadd.s32 $0xFFFFFF80  }
0x2d: {  	_ =	swait.ge [sflag:s25], $0x80  }
0x2e: {  	[sflag:s25] =	ssyncset.done $0x0  }
0x2f: {  	[sflag:s25] =	ssyncadd.s32 $0xFFFFFF80  }
0x30: {  	_ =	swait.ge [sflag:s25], $0x80  }
0x31: {  	[sflag:s25] =	ssyncset.done $0x0  }
0x32: {  	[sflag:s25] =	ssyncadd.s32 $0xFFFFFF80  }
0x33: {  	_ =	swait.ge [sflag:s25], $0x80  }
0x34: {  	[sflag:s25] =	ssyncset.done $0x0  }
0x35: {  	[sflag:s25] =	ssyncadd.s32 $0xFFFFFF80  }
0x36: {  	_ =	swait.ge [sflag:s25], $0x80  }
0x37: {  	[sflag:s25] =	ssyncset.done $0x0  }
0x38: {  	[sflag:s25] =	ssyncadd.s32 $0xFFFFFF80  }
0x39: {  	_ =	swait.ge [sflag:s25], $0x80  }
0x3a: {  	[sflag:s25] =	ssyncset.done $0x0  }
0x3b: {  	[sflag:s25] =	ssyncadd.s32 $0xFFFFFF80  }
0x3c: {  	_ =	swait.ge [sflag:s25], $0x80  }
0x3d: {  	[sflag:s25] =	ssyncset.done $0x0  }
0x3e: {  	s28 =	simm.s32 $0x0;
	[sflag:s25] =	ssyncadd.s32 $0xFFFFFF80  }
0x3f: {  	s29 =	simm.s32 $0x40;
	v0 =	vld [tilespmem:s28+$0x600]  }
.LBB2_2:
0x40: {  	p0 =	sne.s32 s29, $0x7C0;
	v1 =	vld [tilespmem:s28+$0x400];
	_ =	sdelay $0x2  }
.Ltmp0:
0x41: {  	(pc) =	sbr.rel @p0 .LBB2_2-.Ltmp0, $4  }
0x42: {  	_ = 	snop  }
0x43: {  	v1 =	vadd.f32 v0, v1  }
0x44: {  	s30 =	sshra.s32 s29, $0x2  }
0x45: {  	s29 =	sadd.s32 $0x40, s29;
	v0 =	vld [tilespmem:s30+$0x600];
	[tilespmem:s28+$0x400] =	vst v1;
	s28 =	smov.u32 s30  }
0x46: {  	v1 =	vld [tilespmem:s28+$0x400];
	_ =	sdelay $0x4  }
0x47: {  	s26 =	sadd.s32 $0x1, s26;
	v0 =	vadd.f32 v0, v1  }
0x48: {  	p0 =	sne.s32 s26, s8  }
.Ltmp1:
0x49: {  	[tilespmem:s28+$0x400] =	vst v0;
	(pc) =	sbr.rel @p0 .LBB2_1-.Ltmp1, $4  }
0x4a: {  	[hbm4b:s7+s2] =	stream.linear.scatter [tilespmem:s12], [sflag:$0x2], $0x200, $0x38;
	[tilespmem:$0x800] =	vst v63  }
0x4b: {  	_ =	swait.ge [sflag:s9], $0x200  }
0x4c: {  	[sflag:s9] =	ssyncset.done $0x0  }
0x4d: {  	[sflag:s9] =	ssyncadd.s32 $0xFFFFFE00  }
0x4e: {  	_ =	sfence.sel $0x180000  }
0x4f: {  	[bflag:$0x0] =	sbarrier.arrive $0xFFFF  }
0x50: {  	p0 =	sne.s32 s1, $0x0;
	_ =	strace $0x90000047  }
0x51: {  	s0 =	sadd.s32 @!p0 $0x100000, s0;
	[bflag:$0x2] =	sbarrier.arrive $0xFFFF  }
0x52: {  	[sflag:s0] =	ssyncadd.tile.s32 @!p0 $0x1;
	_ =	shalt  }
.Lfunc_end2:
_tile_overlayer_lowered:
.L_overlay_start_2:
0x53: {  	(tag) =	ssettag $0x2  }
0x54: {  	s0 =	rddreg [dreg:$0x0];
	s2 =	stileid.u32  }
0x55: {  	s1 =	rddreg [dreg:$0x1];
	p0 =	sne.s32 s2, $0x0  }
0x56: {  	s3 =	rddreg [dreg:$0x2];
	[bflag:$0x3] =	sbarrier.arrive $0xFFFF;
	s2 =	simm.s32 @!p0 $0x1C02  }
0x57: {  	[timem:s3], [sflag:s2] =	dma.local @!p0 [hbm:s0], s1  }
0x58: {  	s0 =	simm.s32 @!p0 $0x2  }
0x59: {  	_ =	swait.ge @!p0 [sflag:s0], s1  }
0x5a: {  	s1 =	ssub.s32 @!p0 $0x0, s1;
	[sflag:s0] =	ssyncset.done @!p0 $0x0  }
0x5b: {  	[sflag:s0] =	ssyncadd.s32 @!p0 s1  }
0x5c: {  	[bflag:$0x3] =	sbarrier.arrive $0xFFFF  }
0x5d: {  	_ =	shalt  }

</sc_bundles>
